<compile_context>
chip_gen: v7x
topology: tpu7x:2x2x1
jax: 0.10.2.dev20260603
libtpu: 0.0.44.dev20260713+nightly
codegen_flags: <defaults>
</compile_context>

<pallas_src>
import functools

import jax
import jax.numpy as jnp
from jax import lax
from jax.experimental import pallas as pl
from jax.experimental.pallas import tpu as pltpu
from jax.experimental.pallas import tpu_sc as plsc

_B = 16384
_A = 64
_D = 128

_IDX_CHUNK = 128


@functools.cache
def _make_sc_gather():
    info = plsc.get_sparse_core_info()
    nw = info.num_cores * info.num_subcores
    b_per_w = _B // nw
    chunks = b_per_w // _IDX_CHUNK
    n_chunks_total = _B // _IDX_CHUNK
    mesh = plsc.VectorSubcoreMesh(core_axis_name="c", subcore_axis_name="s")

    @functools.partial(
        pl.kernel,
        mesh=mesh,
        out_type=jax.ShapeDtypeStruct((n_chunks_total, _IDX_CHUNK, _D),
                                      jnp.float32),
        scratch_types=[
            pltpu.VMEM((chunks, _IDX_CHUNK), jnp.int32),
            pltpu.VMEM((chunks, _IDX_CHUNK, _D), jnp.float32),
            pltpu.SemaphoreType.DMA,
            pltpu.SemaphoreType.DMA,
        ],
    )
    def gather(table_hbm, idx_hbm, out_hbm, idx_v, rows_v, sem_in, sem_out):
        wid = lax.axis_index("s") * info.num_cores + lax.axis_index("c")
        pltpu.sync_copy(idx_hbm.at[pl.ds(wid * chunks, chunks)], idx_v)
        copies = [
            pltpu.async_copy(table_hbm.at[idx_v.at[j]], rows_v.at[j], sem_in)
            for j in range(chunks)
        ]
        outs = []
        for j, c in enumerate(copies):
            c.wait()
            outs.append(
                pltpu.async_copy(rows_v.at[j],
                                 out_hbm.at[wid * chunks + j], sem_out))
        for o in outs:
            o.wait()

    return gather


_PBLK = 256
_NBUF = 4
_NSTEP = _B // _PBLK


def _expand_manual_body(bw_ref, asp_ref, out_ref, vbuf, sems):
    i = pl.program_id(0)

    def _issue_wait(step):
        b = jax.lax.rem(step, _NBUF)
        pltpu.make_async_copy(
            vbuf.at[b],
            out_ref.at[pl.ds(step * _PBLK, _PBLK)],
            sems.at[b],
        ).wait()

    b = jax.lax.rem(i, _NBUF)

    @pl.when(i >= _NBUF)
    def _():
        _issue_wait(i - _NBUF)

    asp = asp_ref[...]
    bw = bw_ref[:, :_A]
    vbuf[b] = bw[:, :, None] * asp[None]
    pltpu.async_copy(vbuf.at[b], out_ref.at[pl.ds(i * _PBLK, _PBLK)],
                     sems.at[b])

    @pl.when(i == _NSTEP - 1)
    def _():
        for d in range(_NBUF):
            _issue_wait(_NSTEP - _NBUF + d)


def _expand_manual(bw_wide, aspects):
    return pl.pallas_call(
        _expand_manual_body,
        grid=(_NSTEP,),
        in_specs=[
            pl.BlockSpec((_PBLK, _D), lambda i: (i, 0)),
            pl.BlockSpec((_A, _D), lambda i: (0, 0)),
        ],
        out_specs=pl.BlockSpec(memory_space=pl.ANY),
        out_shape=jax.ShapeDtypeStruct((_B, _A, _D), jnp.float32),
        scratch_shapes=[
            pltpu.VMEM((_NBUF, _PBLK, _A, _D), jnp.float32),
            pltpu.SemaphoreType.DMA((_NBUF,)),
        ],
        compiler_params=pltpu.CompilerParams(
            vmem_limit_bytes=100 * 1024 * 1024),
    )(bw_wide, aspects)


def kernel(brand_list, brand_table, aspects):
    idx = brand_list.astype(jnp.int32).reshape(_B // _IDX_CHUNK, _IDX_CHUNK)
    table_wide = jnp.pad(brand_table, ((0, 0), (0, _D - _A)))
    bw3 = _make_sc_gather()(table_wide, idx)
    bw_wide = bw3.reshape(_B, _D)
    return _expand_manual(bw_wide, aspects)

# --- scband reference (transcript-rebuilt; emitter-appended) ---
"""Pipeline reference for scband-brand-aspects-63299228008789 (READ-ONLY COPY).

The authoritative reference and input builder live on the scoring server;
editing this copy changes nothing except your own understanding.
"""

import jax, jax.numpy as jnp
import numpy as np

BRAND_NUM = 100000
NUM_ASPECTS = 64
COMMON_EMBEDDING_SIZE = 128
BATCH = 16384

@jax.custom_vjp
def l1_penalty(x):
    return x

def _l1_fwd(x):
    return x, x

def _l1_bwd(res, g):
    x = res
    return (g + 0.0001 * jnp.sign(x),)

l1_penalty.defvjp(_l1_fwd, _l1_bwd)


def setup_inputs(seed: int = 0) -> dict:
    key = jax.random.key(seed)
    k1, k2, k3 = jax.random.split(key, 3)
    brand_list = jax.random.randint(k1, (BATCH,), 0, BRAND_NUM)
    # nn.Embedding(brand_num + 1, num_aspects) weight, default init ~ N(0,1)
    brand_table = jax.random.normal(k2, (BRAND_NUM + 1, NUM_ASPECTS), dtype=jnp.float32)
    # nn.Parameter(torch.randn(num_aspects, common_embedding_size))
    aspects = jax.random.normal(k3, (NUM_ASPECTS, COMMON_EMBEDDING_SIZE), dtype=jnp.float32)
    return {"brand_list": brand_list, "brand_table": brand_table, "aspects": aspects}


def reference(brand_list, brand_table, aspects):
    # brand_weights = self.brand_embeddings(brand_list)  -> gather rows
    brand_weights = jnp.take(brand_table, brand_list, axis=0)  # [B, A]
    # L1Penalty is identity in forward
    brand_weights = l1_penalty(brand_weights)
    # broadcasted multiply: [B, A, 1] * [1, A, D] -> [B, A, D]
    w_aspects = brand_weights[:, :, None] * aspects[None, :, :]
    # dropout in eval mode is identity
    return w_aspects

if __name__ == "__main__":
    import jax
    _d = setup_inputs()
    print(jax.jit(kernel)(*tuple(_d.values())))

</pallas_src>

<mosaic_0001>
#map = affine_map<(d0, d1) -> (0, 0)>
#map1 = affine_map<(d0, d1) -> (0, 0, 0)>
module attributes {stable_mosaic.version = 14 : i64} {
  func.func @gather(%arg0: i32, %arg1: i32, %arg2: memref<100001x128xf32, #tpu.memory_space<hbm>>, %arg3: memref<128x128xi32, #tpu.memory_space<hbm>>, %arg4: memref<128x128x128xf32, #tpu.memory_space<hbm>>, %arg5: memref<4x128xi32, #tpu.memory_space<vmem>>, %arg6: memref<4x128x128xf32, #tpu.memory_space<vmem>>, %arg7: memref<!tpu.dma_semaphore, #tpu.memory_space<semaphore_mem>>, %arg8: memref<!tpu.dma_semaphore, #tpu.memory_space<semaphore_mem>>) attributes {dimension_semantics = [#tpu.dimension_semantics<core_parallel>, #tpu.dimension_semantics<subcore_parallel>], iteration_bounds = array<i64: 2, 16>, scalar_prefetch = 0 : i64, scratch_operands = 4 : i64, tpu.core_type = #tpu.core_type<sc_vector_subcore>, window_params = [{transform_indices = #map}, {transform_indices = #map}, {transform_indices = #map1}]} {
    %mul3A = arith.constant 2 : i32
    %mul3A_0 = arith.muli %arg1, %mul3A : i32
    %add3A = arith.addi %mul3A_0, %arg0 : i32
    %mul3A_1 = arith.constant 4 : i32
    %mul3A_2 = arith.muli %add3A, %mul3A_1 : i32
    "tpu.region"() ({
      %run_scoped3A = tpu.sem_alloc : memref<!tpu.dma_semaphore, #tpu.memory_space<semaphore_mem>>
      %dma_start3A_249 = arith.constant 0 : i32
      %dma_start3A_250 = tpu.memref_slice %arg3[%mul3A_2, %dma_start3A_249] : memref<128x128xi32, #tpu.memory_space<hbm>> -> memref<4x128xi32, #tpu.memory_space<hbm>>
      %dma_start3A_251 = arith.constant 0 : i32
      %dma_start3A_252 = tpu.memref_slice %arg3[%mul3A_2, %dma_start3A_251] : memref<128x128xi32, #tpu.memory_space<hbm>> -> memref<4x128xi32, #tpu.memory_space<hbm>>
      tpu.enqueue_dma source(%dma_start3A_252 : memref<4x128xi32, #tpu.memory_space<hbm>>) target(%arg5 : memref<4x128xi32, #tpu.memory_space<vmem>>) target_semaphore(%run_scoped3A : memref<!tpu.dma_semaphore, #tpu.memory_space<semaphore_mem>>)
      %dma_wait3A_253 = arith.constant 0 : i32
      %dma_wait3A_254 = tpu.memref_slice %arg3[%mul3A_2, %dma_wait3A_253] : memref<128x128xi32, #tpu.memory_space<hbm>> -> memref<4x128xi32, #tpu.memory_space<hbm>>
      %dma_wait3A_255 = arith.constant 0 : i32
      %dma_wait3A_256 = tpu.memref_slice %arg3[%mul3A_2, %dma_wait3A_255] : memref<128x128xi32, #tpu.memory_space<hbm>> -> memref<4x128xi32, #tpu.memory_space<hbm>>
      tpu.wait_dma2 semaphore(%run_scoped3A : memref<!tpu.dma_semaphore, #tpu.memory_space<semaphore_mem>>) src(%dma_wait3A_256 : memref<4x128xi32, #tpu.memory_space<hbm>>) dst(%arg5 : memref<4x128xi32, #tpu.memory_space<vmem>>)
      tpu.yield
    }) : () -> ()
    %dma_start3A = arith.constant 0 : i32
    %dma_start3A_3 = arith.constant 0 : i32
    %dma_start3A_4 = arith.constant 0 : i32
    %dma_start3A_5 = arith.constant 0 : i32
    %dma_start3A_6 = tpu.memref_slice %arg6[%dma_start3A_3, %dma_start3A_4, %dma_start3A_5] : memref<4x128x128xf32, #tpu.memory_space<vmem>> -> memref<1x128x128xf32, #tpu.memory_space<vmem>>
    %dma_start3A_7 = tpu.memref_squeeze %dma_start3A_6 : memref<1x128x128xf32, #tpu.memory_space<vmem>> -> memref<128x128xf32, #tpu.memory_space<vmem>>
    %dma_start3A_8 = arith.constant 0 : i32
    %dma_start3A_9 = tpu.memref_slice %arg5[%dma_start3A, %dma_start3A_8] : memref<4x128xi32, #tpu.memory_space<vmem>> -> memref<1x128xi32, #tpu.memory_space<vmem>>
    %dma_start3A_10 = tpu.memref_squeeze %dma_start3A_9 : memref<1x128xi32, #tpu.memory_space<vmem>> -> memref<128xi32, #tpu.memory_space<vmem>>
    %dma_start3A_11 = arith.constant 0 : i32
    %dma_start3A_12 = arith.constant 0 : i32
    %dma_start3A_13 = tpu.memref_slice %arg2[%dma_start3A_11, %dma_start3A_12] : memref<100001x128xf32, #tpu.memory_space<hbm>> -> memref<100001x128xf32, #tpu.memory_space<hbm>>
    tpu.enqueue_indirect_dma source(%dma_start3A_13 : memref<100001x128xf32, #tpu.memory_space<hbm>>) target(%dma_start3A_7 : memref<128x128xf32, #tpu.memory_space<vmem>>) offsets(%dma_start3A_10 : memref<128xi32, #tpu.memory_space<vmem>>) semaphore(%arg7 : memref<!tpu.dma_semaphore, #tpu.memory_space<semaphore_mem>>)
    %dma_start3A_14 = arith.constant 1 : i32
    %dma_start3A_15 = arith.constant 1 : i32
    %dma_start3A_16 = arith.constant 0 : i32
    %dma_start3A_17 = arith.constant 0 : i32
    %dma_start3A_18 = tpu.memref_slice %arg6[%dma_start3A_15, %dma_start3A_16, %dma_start3A_17] : memref<4x128x128xf32, #tpu.memory_space<vmem>> -> memref<1x128x128xf32, #tpu.memory_space<vmem>>
    %dma_start3A_19 = tpu.memref_squeeze %dma_start3A_18 : memref<1x128x128xf32, #tpu.memory_space<vmem>> -> memref<128x128xf32, #tpu.memory_space<vmem>>
    %dma_start3A_20 = arith.constant 0 : i32
    %dma_start3A_21 = tpu.memref_slice %arg5[%dma_start3A_14, %dma_start3A_20] : memref<4x128xi32, #tpu.memory_space<vmem>> -> memref<1x128xi32, #tpu.memory_space<vmem>>
    %dma_start3A_22 = tpu.memref_squeeze %dma_start3A_21 : memref<1x128xi32, #tpu.memory_space<vmem>> -> memref<128xi32, #tpu.memory_space<vmem>>
    %dma_start3A_23 = arith.constant 0 : i32
    %dma_start3A_24 = arith.constant 0 : i32
    %dma_start3A_25 = tpu.memref_slice %arg2[%dma_start3A_23, %dma_start3A_24] : memref<100001x128xf32, #tpu.memory_space<hbm>> -> memref<100001x128xf32, #tpu.memory_space<hbm>>
    tpu.enqueue_indirect_dma source(%dma_start3A_25 : memref<100001x128xf32, #tpu.memory_space<hbm>>) target(%dma_start3A_19 : memref<128x128xf32, #tpu.memory_space<vmem>>) offsets(%dma_start3A_22 : memref<128xi32, #tpu.memory_space<vmem>>) semaphore(%arg7 : memref<!tpu.dma_semaphore, #tpu.memory_space<semaphore_mem>>)
    %dma_start3A_26 = arith.constant 2 : i32
    %dma_start3A_27 = arith.constant 2 : i32
    %dma_start3A_28 = arith.constant 0 : i32
    %dma_start3A_29 = arith.constant 0 : i32
    %dma_start3A_30 = tpu.memref_slice %arg6[%dma_start3A_27, %dma_start3A_28, %dma_start3A_29] : memref<4x128x128xf32, #tpu.memory_space<vmem>> -> memref<1x128x128xf32, #tpu.memory_space<vmem>>
    %dma_start3A_31 = tpu.memref_squeeze %dma_start3A_30 : memref<1x128x128xf32, #tpu.memory_space<vmem>> -> memref<128x128xf32, #tpu.memory_space<vmem>>
    %dma_start3A_32 = arith.constant 0 : i32
    %dma_start3A_33 = tpu.memref_slice %arg5[%dma_start3A_26, %dma_start3A_32] : memref<4x128xi32, #tpu.memory_space<vmem>> -> memref<1x128xi32, #tpu.memory_space<vmem>>
    %dma_start3A_34 = tpu.memref_squeeze %dma_start3A_33 : memref<1x128xi32, #tpu.memory_space<vmem>> -> memref<128xi32, #tpu.memory_space<vmem>>
    %dma_start3A_35 = arith.constant 0 : i32
    %dma_start3A_36 = arith.constant 0 : i32
    %dma_start3A_37 = tpu.memref_slice %arg2[%dma_start3A_35, %dma_start3A_36] : memref<100001x128xf32, #tpu.memory_space<hbm>> -> memref<100001x128xf32, #tpu.memory_space<hbm>>
    tpu.enqueue_indirect_dma source(%dma_start3A_37 : memref<100001x128xf32, #tpu.memory_space<hbm>>) target(%dma_start3A_31 : memref<128x128xf32, #tpu.memory_space<vmem>>) offsets(%dma_start3A_34 : memref<128xi32, #tpu.memory_space<vmem>>) semaphore(%arg7 : memref<!tpu.dma_semaphore, #tpu.memory_space<semaphore_mem>>)
    %dma_start3A_38 = arith.constant 3 : i32
    %dma_start3A_39 = arith.constant 3 : i32
    %dma_start3A_40 = arith.constant 0 : i32
    %dma_start3A_41 = arith.constant 0 : i32
    %dma_start3A_42 = tpu.memref_slice %arg6[%dma_start3A_39, %dma_start3A_40, %dma_start3A_41] : memref<4x128x128xf32, #tpu.memory_space<vmem>> -> memref<1x128x128xf32, #tpu.memory_space<vmem>>
    %dma_start3A_43 = tpu.memref_squeeze %dma_start3A_42 : memref<1x128x128xf32, #tpu.memory_space<vmem>> -> memref<128x128xf32, #tpu.memory_space<vmem>>
    %dma_start3A_44 = arith.constant 0 : i32
    %dma_start3A_45 = tpu.memref_slice %arg5[%dma_start3A_38, %dma_start3A_44] : memref<4x128xi32, #tpu.memory_space<vmem>> -> memref<1x128xi32, #tpu.memory_space<vmem>>
    %dma_start3A_46 = tpu.memref_squeeze %dma_start3A_45 : memref<1x128xi32, #tpu.memory_space<vmem>> -> memref<128xi32, #tpu.memory_space<vmem>>
    %dma_start3A_47 = arith.constant 0 : i32
    %dma_start3A_48 = arith.constant 0 : i32
    %dma_start3A_49 = tpu.memref_slice %arg2[%dma_start3A_47, %dma_start3A_48] : memref<100001x128xf32, #tpu.memory_space<hbm>> -> memref<100001x128xf32, #tpu.memory_space<hbm>>
    tpu.enqueue_indirect_dma source(%dma_start3A_49 : memref<100001x128xf32, #tpu.memory_space<hbm>>) target(%dma_start3A_43 : memref<128x128xf32, #tpu.memory_space<vmem>>) offsets(%dma_start3A_46 : memref<128xi32, #tpu.memory_space<vmem>>) semaphore(%arg7 : memref<!tpu.dma_semaphore, #tpu.memory_space<semaphore_mem>>)
    %dma_wait3A = arith.constant 0 : i32
    %dma_wait3A_50 = arith.constant 0 : i32
    %dma_wait3A_51 = arith.constant 0 : i32
    %dma_wait3A_52 = arith.constant 0 : i32
    %dma_wait3A_53 = tpu.memref_slice %arg6[%dma_wait3A_50, %dma_wait3A_51, %dma_wait3A_52] : memref<4x128x128xf32, #tpu.memory_space<vmem>> -> memref<1x128x128xf32, #tpu.memory_space<vmem>>
    %dma_wait3A_54 = tpu.memref_squeeze %dma_wait3A_53 : memref<1x128x128xf32, #tpu.memory_space<vmem>> -> memref<128x128xf32, #tpu.memory_space<vmem>>
    %dma_wait3A_55 = arith.constant 0 : i32
    %dma_wait3A_56 = tpu.memref_slice %arg5[%dma_wait3A, %dma_wait3A_55] : memref<4x128xi32, #tpu.memory_space<vmem>> -> memref<1x128xi32, #tpu.memory_space<vmem>>
    %dma_wait3A_57 = tpu.memref_squeeze %dma_wait3A_56 : memref<1x128xi32, #tpu.memory_space<vmem>> -> memref<128xi32, #tpu.memory_space<vmem>>
    %dma_wait3A_58 = arith.constant 0 : i32
    %dma_wait3A_59 = arith.constant 0 : i32
    %dma_wait3A_60 = tpu.memref_slice %arg2[%dma_wait3A_58, %dma_wait3A_59] : memref<100001x128xf32, #tpu.memory_space<hbm>> -> memref<100001x128xf32, #tpu.memory_space<hbm>>
    tpu.wait_indirect_dma semaphore(%arg7 : memref<!tpu.dma_semaphore, #tpu.memory_space<semaphore_mem>>) src(%dma_wait3A_60 : memref<100001x128xf32, #tpu.memory_space<hbm>>) dst(%dma_wait3A_54 : memref<128x128xf32, #tpu.memory_space<vmem>>)
    %mul3A_61 = arith.constant 4 : i32
    %mul3A_62 = arith.muli %add3A, %mul3A_61 : i32
    %add3A_63 = arith.constant 0 : i32
    %add3A_64 = arith.addi %mul3A_62, %add3A_63 : i32
    %dma_start3A_65 = arith.constant 0 : i32
    %dma_start3A_66 = arith.constant 0 : i32
    %dma_start3A_67 = arith.constant 0 : i32
    %dma_start3A_68 = tpu.memref_slice %arg6[%dma_start3A_65, %dma_start3A_66, %dma_start3A_67] : memref<4x128x128xf32, #tpu.memory_space<vmem>> -> memref<1x128x128xf32, #tpu.memory_space<vmem>>
    %dma_start3A_69 = tpu.memref_squeeze %dma_start3A_68 : memref<1x128x128xf32, #tpu.memory_space<vmem>> -> memref<128x128xf32, #tpu.memory_space<vmem>>
    %dma_start3A_70 = arith.constant 0 : i32
    %dma_start3A_71 = arith.constant 0 : i32
    %dma_start3A_72 = tpu.memref_slice %arg4[%add3A_64, %dma_start3A_70, %dma_start3A_71] : memref<128x128x128xf32, #tpu.memory_space<hbm>> -> memref<1x128x128xf32, #tpu.memory_space<hbm>>
    %dma_start3A_73 = tpu.memref_squeeze %dma_start3A_72 : memref<1x128x128xf32, #tpu.memory_space<hbm>> -> memref<128x128xf32, #tpu.memory_space<hbm>>
    %dma_start3A_74 = arith.constant 0 : i32
    %dma_start3A_75 = arith.constant 0 : i32
    %dma_start3A_76 = tpu.memref_slice %arg4[%add3A_64, %dma_start3A_74, %dma_start3A_75] : memref<128x128x128xf32, #tpu.memory_space<hbm>> -> memref<1x128x128xf32, #tpu.memory_space<hbm>>
    %dma_start3A_77 = tpu.memref_squeeze %dma_start3A_76 : memref<1x128x128xf32, #tpu.memory_space<hbm>> -> memref<128x128xf32, #tpu.memory_space<hbm>>
    %dma_start3A_78 = arith.constant 0 : i32
    %dma_start3A_79 = arith.constant 0 : i32
    %dma_start3A_80 = tpu.memref_slice %arg6[%dma_start3A_65, %dma_start3A_78, %dma_start3A_79] : memref<4x128x128xf32, #tpu.memory_space<vmem>> -> memref<1x128x128xf32, #tpu.memory_space<vmem>>
    %dma_start3A_81 = tpu.memref_squeeze %dma_start3A_80 : memref<1x128x128xf32, #tpu.memory_space<vmem>> -> memref<128x128xf32, #tpu.memory_space<vmem>>
    tpu.enqueue_dma source(%dma_start3A_81 : memref<128x128xf32, #tpu.memory_space<vmem>>) target(%dma_start3A_77 : memref<128x128xf32, #tpu.memory_space<hbm>>) target_semaphore(%arg8 : memref<!tpu.dma_semaphore, #tpu.memory_space<semaphore_mem>>)
    %dma_wait3A_82 = arith.constant 1 : i32
    %dma_wait3A_83 = arith.constant 1 : i32
    %dma_wait3A_84 = arith.constant 0 : i32
    %dma_wait3A_85 = arith.constant 0 : i32
    %dma_wait3A_86 = tpu.memref_slice %arg6[%dma_wait3A_83, %dma_wait3A_84, %dma_wait3A_85] : memref<4x128x128xf32, #tpu.memory_space<vmem>> -> memref<1x128x128xf32, #tpu.memory_space<vmem>>
    %dma_wait3A_87 = tpu.memref_squeeze %dma_wait3A_86 : memref<1x128x128xf32, #tpu.memory_space<vmem>> -> memref<128x128xf32, #tpu.memory_space<vmem>>
    %dma_wait3A_88 = arith.constant 0 : i32
    %dma_wait3A_89 = tpu.memref_slice %arg5[%dma_wait3A_82, %dma_wait3A_88] : memref<4x128xi32, #tpu.memory_space<vmem>> -> memref<1x128xi32, #tpu.memory_space<vmem>>
    %dma_wait3A_90 = tpu.memref_squeeze %dma_wait3A_89 : memref<1x128xi32, #tpu.memory_space<vmem>> -> memref<128xi32, #tpu.memory_space<vmem>>
    %dma_wait3A_91 = arith.constant 0 : i32
    %dma_wait3A_92 = arith.constant 0 : i32
    %dma_wait3A_93 = tpu.memref_slice %arg2[%dma_wait3A_91, %dma_wait3A_92] : memref<100001x128xf32, #tpu.memory_space<hbm>> -> memref<100001x128xf32, #tpu.memory_space<hbm>>
    tpu.wait_indirect_dma semaphore(%arg7 : memref<!tpu.dma_semaphore, #tpu.memory_space<semaphore_mem>>) src(%dma_wait3A_93 : memref<100001x128xf32, #tpu.memory_space<hbm>>) dst(%dma_wait3A_87 : memref<128x128xf32, #tpu.memory_space<vmem>>)
    %mul3A_94 = arith.constant 4 : i32
    %mul3A_95 = arith.muli %add3A, %mul3A_94 : i32
    %add3A_96 = arith.constant 1 : i32
    %add3A_97 = arith.addi %mul3A_95, %add3A_96 : i32
    %dma_start3A_98 = arith.constant 1 : i32
    %dma_start3A_99 = arith.constant 0 : i32
    %dma_start3A_100 = arith.constant 0 : i32
    %dma_start3A_101 = tpu.memref_slice %arg6[%dma_start3A_98, %dma_start3A_99, %dma_start3A_100] : memref<4x128x128xf32, #tpu.memory_space<vmem>> -> memref<1x128x128xf32, #tpu.memory_space<vmem>>
    %dma_start3A_102 = tpu.memref_squeeze %dma_start3A_101 : memref<1x128x128xf32, #tpu.memory_space<vmem>> -> memref<128x128xf32, #tpu.memory_space<vmem>>
    %dma_start3A_103 = arith.constant 0 : i32
    %dma_start3A_104 = arith.constant 0 : i32
    %dma_start3A_105 = tpu.memref_slice %arg4[%add3A_97, %dma_start3A_103, %dma_start3A_104] : memref<128x128x128xf32, #tpu.memory_space<hbm>> -> memref<1x128x128xf32, #tpu.memory_space<hbm>>
    %dma_start3A_106 = tpu.memref_squeeze %dma_start3A_105 : memref<1x128x128xf32, #tpu.memory_space<hbm>> -> memref<128x128xf32, #tpu.memory_space<hbm>>
    %dma_start3A_107 = arith.constant 0 : i32
    %dma_start3A_108 = arith.constant 0 : i32
    %dma_start3A_109 = tpu.memref_slice %arg4[%add3A_97, %dma_start3A_107, %dma_start3A_108] : memref<128x128x128xf32, #tpu.memory_space<hbm>> -> memref<1x128x128xf32, #tpu.memory_space<hbm>>
    %dma_start3A_110 = tpu.memref_squeeze %dma_start3A_109 : memref<1x128x128xf32, #tpu.memory_space<hbm>> -> memref<128x128xf32, #tpu.memory_space<hbm>>
    %dma_start3A_111 = arith.constant 0 : i32
    %dma_start3A_112 = arith.constant 0 : i32
    %dma_start3A_113 = tpu.memref_slice %arg6[%dma_start3A_98, %dma_start3A_111, %dma_start3A_112] : memref<4x128x128xf32, #tpu.memory_space<vmem>> -> memref<1x128x128xf32, #tpu.memory_space<vmem>>
    %dma_start3A_114 = tpu.memref_squeeze %dma_start3A_113 : memref<1x128x128xf32, #tpu.memory_space<vmem>> -> memref<128x128xf32, #tpu.memory_space<vmem>>
    tpu.enqueue_dma source(%dma_start3A_114 : memref<128x128xf32, #tpu.memory_space<vmem>>) target(%dma_start3A_110 : memref<128x128xf32, #tpu.memory_space<hbm>>) target_semaphore(%arg8 : memref<!tpu.dma_semaphore, #tpu.memory_space<semaphore_mem>>)
    %dma_wait3A_115 = arith.constant 2 : i32
    %dma_wait3A_116 = arith.constant 2 : i32
    %dma_wait3A_117 = arith.constant 0 : i32
    %dma_wait3A_118 = arith.constant 0 : i32
    %dma_wait3A_119 = tpu.memref_slice %arg6[%dma_wait3A_116, %dma_wait3A_117, %dma_wait3A_118] : memref<4x128x128xf32, #tpu.memory_space<vmem>> -> memref<1x128x128xf32, #tpu.memory_space<vmem>>
    %dma_wait3A_120 = tpu.memref_squeeze %dma_wait3A_119 : memref<1x128x128xf32, #tpu.memory_space<vmem>> -> memref<128x128xf32, #tpu.memory_space<vmem>>
    %dma_wait3A_121 = arith.constant 0 : i32
    %dma_wait3A_122 = tpu.memref_slice %arg5[%dma_wait3A_115, %dma_wait3A_121] : memref<4x128xi32, #tpu.memory_space<vmem>> -> memref<1x128xi32, #tpu.memory_space<vmem>>
    %dma_wait3A_123 = tpu.memref_squeeze %dma_wait3A_122 : memref<1x128xi32, #tpu.memory_space<vmem>> -> memref<128xi32, #tpu.memory_space<vmem>>
    %dma_wait3A_124 = arith.constant 0 : i32
    %dma_wait3A_125 = arith.constant 0 : i32
    %dma_wait3A_126 = tpu.memref_slice %arg2[%dma_wait3A_124, %dma_wait3A_125] : memref<100001x128xf32, #tpu.memory_space<hbm>> -> memref<100001x128xf32, #tpu.memory_space<hbm>>
    tpu.wait_indirect_dma semaphore(%arg7 : memref<!tpu.dma_semaphore, #tpu.memory_space<semaphore_mem>>) src(%dma_wait3A_126 : memref<100001x128xf32, #tpu.memory_space<hbm>>) dst(%dma_wait3A_120 : memref<128x128xf32, #tpu.memory_space<vmem>>)
    %mul3A_127 = arith.constant 4 : i32
    %mul3A_128 = arith.muli %add3A, %mul3A_127 : i32
    %add3A_129 = arith.constant 2 : i32
    %add3A_130 = arith.addi %mul3A_128, %add3A_129 : i32
    %dma_start3A_131 = arith.constant 2 : i32
    %dma_start3A_132 = arith.constant 0 : i32
    %dma_start3A_133 = arith.constant 0 : i32
    %dma_start3A_134 = tpu.memref_slice %arg6[%dma_start3A_131, %dma_start3A_132, %dma_start3A_133] : memref<4x128x128xf32, #tpu.memory_space<vmem>> -> memref<1x128x128xf32, #tpu.memory_space<vmem>>
    %dma_start3A_135 = tpu.memref_squeeze %dma_start3A_134 : memref<1x128x128xf32, #tpu.memory_space<vmem>> -> memref<128x128xf32, #tpu.memory_space<vmem>>
    %dma_start3A_136 = arith.constant 0 : i32
    %dma_start3A_137 = arith.constant 0 : i32
    %dma_start3A_138 = tpu.memref_slice %arg4[%add3A_130, %dma_start3A_136, %dma_start3A_137] : memref<128x128x128xf32, #tpu.memory_space<hbm>> -> memref<1x128x128xf32, #tpu.memory_space<hbm>>
    %dma_start3A_139 = tpu.memref_squeeze %dma_start3A_138 : memref<1x128x128xf32, #tpu.memory_space<hbm>> -> memref<128x128xf32, #tpu.memory_space<hbm>>
    %dma_start3A_140 = arith.constant 0 : i32
    %dma_start3A_141 = arith.constant 0 : i32
    %dma_start3A_142 = tpu.memref_slice %arg4[%add3A_130, %dma_start3A_140, %dma_start3A_141] : memref<128x128x128xf32, #tpu.memory_space<hbm>> -> memref<1x128x128xf32, #tpu.memory_space<hbm>>
    %dma_start3A_143 = tpu.memref_squeeze %dma_start3A_142 : memref<1x128x128xf32, #tpu.memory_space<hbm>> -> memref<128x128xf32, #tpu.memory_space<hbm>>
    %dma_start3A_144 = arith.constant 0 : i32
    %dma_start3A_145 = arith.constant 0 : i32
    %dma_start3A_146 = tpu.memref_slice %arg6[%dma_start3A_131, %dma_start3A_144, %dma_start3A_145] : memref<4x128x128xf32, #tpu.memory_space<vmem>> -> memref<1x128x128xf32, #tpu.memory_space<vmem>>
    %dma_start3A_147 = tpu.memref_squeeze %dma_start3A_146 : memref<1x128x128xf32, #tpu.memory_space<vmem>> -> memref<128x128xf32, #tpu.memory_space<vmem>>
    tpu.enqueue_dma source(%dma_start3A_147 : memref<128x128xf32, #tpu.memory_space<vmem>>) target(%dma_start3A_143 : memref<128x128xf32, #tpu.memory_space<hbm>>) target_semaphore(%arg8 : memref<!tpu.dma_semaphore, #tpu.memory_space<semaphore_mem>>)
    %dma_wait3A_148 = arith.constant 3 : i32
    %dma_wait3A_149 = arith.constant 3 : i32
    %dma_wait3A_150 = arith.constant 0 : i32
    %dma_wait3A_151 = arith.constant 0 : i32
    %dma_wait3A_152 = tpu.memref_slice %arg6[%dma_wait3A_149, %dma_wait3A_150, %dma_wait3A_151] : memref<4x128x128xf32, #tpu.memory_space<vmem>> -> memref<1x128x128xf32, #tpu.memory_space<vmem>>
    %dma_wait3A_153 = tpu.memref_squeeze %dma_wait3A_152 : memref<1x128x128xf32, #tpu.memory_space<vmem>> -> memref<128x128xf32, #tpu.memory_space<vmem>>
    %dma_wait3A_154 = arith.constant 0 : i32
    %dma_wait3A_155 = tpu.memref_slice %arg5[%dma_wait3A_148, %dma_wait3A_154] : memref<4x128xi32, #tpu.memory_space<vmem>> -> memref<1x128xi32, #tpu.memory_space<vmem>>
    %dma_wait3A_156 = tpu.memref_squeeze %dma_wait3A_155 : memref<1x128xi32, #tpu.memory_space<vmem>> -> memref<128xi32, #tpu.memory_space<vmem>>
    %dma_wait3A_157 = arith.constant 0 : i32
    %dma_wait3A_158 = arith.constant 0 : i32
    %dma_wait3A_159 = tpu.memref_slice %arg2[%dma_wait3A_157, %dma_wait3A_158] : memref<100001x128xf32, #tpu.memory_space<hbm>> -> memref<100001x128xf32, #tpu.memory_space<hbm>>
    tpu.wait_indirect_dma semaphore(%arg7 : memref<!tpu.dma_semaphore, #tpu.memory_space<semaphore_mem>>) src(%dma_wait3A_159 : memref<100001x128xf32, #tpu.memory_space<hbm>>) dst(%dma_wait3A_153 : memref<128x128xf32, #tpu.memory_space<vmem>>)
    %mul3A_160 = arith.constant 4 : i32
    %mul3A_161 = arith.muli %add3A, %mul3A_160 : i32
    %add3A_162 = arith.constant 3 : i32
    %add3A_163 = arith.addi %mul3A_161, %add3A_162 : i32
    %dma_start3A_164 = arith.constant 3 : i32
    %dma_start3A_165 = arith.constant 0 : i32
    %dma_start3A_166 = arith.constant 0 : i32
    %dma_start3A_167 = tpu.memref_slice %arg6[%dma_start3A_164, %dma_start3A_165, %dma_start3A_166] : memref<4x128x128xf32, #tpu.memory_space<vmem>> -> memref<1x128x128xf32, #tpu.memory_space<vmem>>
    %dma_start3A_168 = tpu.memref_squeeze %dma_start3A_167 : memref<1x128x128xf32, #tpu.memory_space<vmem>> -> memref<128x128xf32, #tpu.memory_space<vmem>>
    %dma_start3A_169 = arith.constant 0 : i32
    %dma_start3A_170 = arith.constant 0 : i32
    %dma_start3A_171 = tpu.memref_slice %arg4[%add3A_163, %dma_start3A_169, %dma_start3A_170] : memref<128x128x128xf32, #tpu.memory_space<hbm>> -> memref<1x128x128xf32, #tpu.memory_space<hbm>>
    %dma_start3A_172 = tpu.memref_squeeze %dma_start3A_171 : memref<1x128x128xf32, #tpu.memory_space<hbm>> -> memref<128x128xf32, #tpu.memory_space<hbm>>
    %dma_start3A_173 = arith.constant 0 : i32
    %dma_start3A_174 = arith.constant 0 : i32
    %dma_start3A_175 = tpu.memref_slice %arg4[%add3A_163, %dma_start3A_173, %dma_start3A_174] : memref<128x128x128xf32, #tpu.memory_space<hbm>> -> memref<1x128x128xf32, #tpu.memory_space<hbm>>
    %dma_start3A_176 = tpu.memref_squeeze %dma_start3A_175 : memref<1x128x128xf32, #tpu.memory_space<hbm>> -> memref<128x128xf32, #tpu.memory_space<hbm>>
    %dma_start3A_177 = arith.constant 0 : i32
    %dma_start3A_178 = arith.constant 0 : i32
    %dma_start3A_179 = tpu.memref_slice %arg6[%dma_start3A_164, %dma_start3A_177, %dma_start3A_178] : memref<4x128x128xf32, #tpu.memory_space<vmem>> -> memref<1x128x128xf32, #tpu.memory_space<vmem>>
    %dma_start3A_180 = tpu.memref_squeeze %dma_start3A_179 : memref<1x128x128xf32, #tpu.memory_space<vmem>> -> memref<128x128xf32, #tpu.memory_space<vmem>>
    tpu.enqueue_dma source(%dma_start3A_180 : memref<128x128xf32, #tpu.memory_space<vmem>>) target(%dma_start3A_176 : memref<128x128xf32, #tpu.memory_space<hbm>>) target_semaphore(%arg8 : memref<!tpu.dma_semaphore, #tpu.memory_space<semaphore_mem>>)
    %dma_wait3A_181 = arith.constant 0 : i32
    %dma_wait3A_182 = arith.constant 0 : i32
    %dma_wait3A_183 = arith.constant 0 : i32
    %dma_wait3A_184 = tpu.memref_slice %arg6[%dma_wait3A_181, %dma_wait3A_182, %dma_wait3A_183] : memref<4x128x128xf32, #tpu.memory_space<vmem>> -> memref<1x128x128xf32, #tpu.memory_space<vmem>>
    %dma_wait3A_185 = tpu.memref_squeeze %dma_wait3A_184 : memref<1x128x128xf32, #tpu.memory_space<vmem>> -> memref<128x128xf32, #tpu.memory_space<vmem>>
    %dma_wait3A_186 = arith.constant 0 : i32
    %dma_wait3A_187 = arith.constant 0 : i32
    %dma_wait3A_188 = tpu.memref_slice %arg4[%add3A_64, %dma_wait3A_186, %dma_wait3A_187] : memref<128x128x128xf32, #tpu.memory_space<hbm>> -> memref<1x128x128xf32, #tpu.memory_space<hbm>>
    %dma_wait3A_189 = tpu.memref_squeeze %dma_wait3A_188 : memref<1x128x128xf32, #tpu.memory_space<hbm>> -> memref<128x128xf32, #tpu.memory_space<hbm>>
    %dma_wait3A_190 = arith.constant 0 : i32
    %dma_wait3A_191 = arith.constant 0 : i32
    %dma_wait3A_192 = tpu.memref_slice %arg4[%add3A_64, %dma_wait3A_190, %dma_wait3A_191] : memref<128x128x128xf32, #tpu.memory_space<hbm>> -> memref<1x128x128xf32, #tpu.memory_space<hbm>>
    %dma_wait3A_193 = tpu.memref_squeeze %dma_wait3A_192 : memref<1x128x128xf32, #tpu.memory_space<hbm>> -> memref<128x128xf32, #tpu.memory_space<hbm>>
    %dma_wait3A_194 = arith.constant 0 : i32
    %dma_wait3A_195 = arith.constant 0 : i32
    %dma_wait3A_196 = tpu.memref_slice %arg6[%dma_wait3A_181, %dma_wait3A_194, %dma_wait3A_195] : memref<4x128x128xf32, #tpu.memory_space<vmem>> -> memref<1x128x128xf32, #tpu.memory_space<vmem>>
    %dma_wait3A_197 = tpu.memref_squeeze %dma_wait3A_196 : memref<1x128x128xf32, #tpu.memory_space<vmem>> -> memref<128x128xf32, #tpu.memory_space<vmem>>
    tpu.wait_dma2 semaphore(%arg8 : memref<!tpu.dma_semaphore, #tpu.memory_space<semaphore_mem>>) src(%dma_wait3A_197 : memref<128x128xf32, #tpu.memory_space<vmem>>) dst(%dma_wait3A_193 : memref<128x128xf32, #tpu.memory_space<hbm>>)
    %dma_wait3A_198 = arith.constant 1 : i32
    %dma_wait3A_199 = arith.constant 0 : i32
    %dma_wait3A_200 = arith.constant 0 : i32
    %dma_wait3A_201 = tpu.memref_slice %arg6[%dma_wait3A_198, %dma_wait3A_199, %dma_wait3A_200] : memref<4x128x128xf32, #tpu.memory_space<vmem>> -> memref<1x128x128xf32, #tpu.memory_space<vmem>>
    %dma_wait3A_202 = tpu.memref_squeeze %dma_wait3A_201 : memref<1x128x128xf32, #tpu.memory_space<vmem>> -> memref<128x128xf32, #tpu.memory_space<vmem>>
    %dma_wait3A_203 = arith.constant 0 : i32
    %dma_wait3A_204 = arith.constant 0 : i32
    %dma_wait3A_205 = tpu.memref_slice %arg4[%add3A_97, %dma_wait3A_203, %dma_wait3A_204] : memref<128x128x128xf32, #tpu.memory_space<hbm>> -> memref<1x128x128xf32, #tpu.memory_space<hbm>>
    %dma_wait3A_206 = tpu.memref_squeeze %dma_wait3A_205 : memref<1x128x128xf32, #tpu.memory_space<hbm>> -> memref<128x128xf32, #tpu.memory_space<hbm>>
    %dma_wait3A_207 = arith.constant 0 : i32
    %dma_wait3A_208 = arith.constant 0 : i32
    %dma_wait3A_209 = tpu.memref_slice %arg4[%add3A_97, %dma_wait3A_207, %dma_wait3A_208] : memref<128x128x128xf32, #tpu.memory_space<hbm>> -> memref<1x128x128xf32, #tpu.memory_space<hbm>>
    %dma_wait3A_210 = tpu.memref_squeeze %dma_wait3A_209 : memref<1x128x128xf32, #tpu.memory_space<hbm>> -> memref<128x128xf32, #tpu.memory_space<hbm>>
    %dma_wait3A_211 = arith.constant 0 : i32
    %dma_wait3A_212 = arith.constant 0 : i32
    %dma_wait3A_213 = tpu.memref_slice %arg6[%dma_wait3A_198, %dma_wait3A_211, %dma_wait3A_212] : memref<4x128x128xf32, #tpu.memory_space<vmem>> -> memref<1x128x128xf32, #tpu.memory_space<vmem>>
    %dma_wait3A_214 = tpu.memref_squeeze %dma_wait3A_213 : memref<1x128x128xf32, #tpu.memory_space<vmem>> -> memref<128x128xf32, #tpu.memory_space<vmem>>
    tpu.wait_dma2 semaphore(%arg8 : memref<!tpu.dma_semaphore, #tpu.memory_space<semaphore_mem>>) src(%dma_wait3A_214 : memref<128x128xf32, #tpu.memory_space<vmem>>) dst(%dma_wait3A_210 : memref<128x128xf32, #tpu.memory_space<hbm>>)
    %dma_wait3A_215 = arith.constant 2 : i32
    %dma_wait3A_216 = arith.constant 0 : i32
    %dma_wait3A_217 = arith.constant 0 : i32
    %dma_wait3A_218 = tpu.memref_slice %arg6[%dma_wait3A_215, %dma_wait3A_216, %dma_wait3A_217] : memref<4x128x128xf32, #tpu.memory_space<vmem>> -> memref<1x128x128xf32, #tpu.memory_space<vmem>>
    %dma_wait3A_219 = tpu.memref_squeeze %dma_wait3A_218 : memref<1x128x128xf32, #tpu.memory_space<vmem>> -> memref<128x128xf32, #tpu.memory_space<vmem>>
    %dma_wait3A_220 = arith.constant 0 : i32
    %dma_wait3A_221 = arith.constant 0 : i32
    %dma_wait3A_222 = tpu.memref_slice %arg4[%add3A_130, %dma_wait3A_220, %dma_wait3A_221] : memref<128x128x128xf32, #tpu.memory_space<hbm>> -> memref<1x128x128xf32, #tpu.memory_space<hbm>>
    %dma_wait3A_223 = tpu.memref_squeeze %dma_wait3A_222 : memref<1x128x128xf32, #tpu.memory_space<hbm>> -> memref<128x128xf32, #tpu.memory_space<hbm>>
    %dma_wait3A_224 = arith.constant 0 : i32
    %dma_wait3A_225 = arith.constant 0 : i32
    %dma_wait3A_226 = tpu.memref_slice %arg4[%add3A_130, %dma_wait3A_224, %dma_wait3A_225] : memref<128x128x128xf32, #tpu.memory_space<hbm>> -> memref<1x128x128xf32, #tpu.memory_space<hbm>>
    %dma_wait3A_227 = tpu.memref_squeeze %dma_wait3A_226 : memref<1x128x128xf32, #tpu.memory_space<hbm>> -> memref<128x128xf32, #tpu.memory_space<hbm>>
    %dma_wait3A_228 = arith.constant 0 : i32
    %dma_wait3A_229 = arith.constant 0 : i32
    %dma_wait3A_230 = tpu.memref_slice %arg6[%dma_wait3A_215, %dma_wait3A_228, %dma_wait3A_229] : memref<4x128x128xf32, #tpu.memory_space<vmem>> -> memref<1x128x128xf32, #tpu.memory_space<vmem>>
    %dma_wait3A_231 = tpu.memref_squeeze %dma_wait3A_230 : memref<1x128x128xf32, #tpu.memory_space<vmem>> -> memref<128x128xf32, #tpu.memory_space<vmem>>
    tpu.wait_dma2 semaphore(%arg8 : memref<!tpu.dma_semaphore, #tpu.memory_space<semaphore_mem>>) src(%dma_wait3A_231 : memref<128x128xf32, #tpu.memory_space<vmem>>) dst(%dma_wait3A_227 : memref<128x128xf32, #tpu.memory_space<hbm>>)
    %dma_wait3A_232 = arith.constant 3 : i32
    %dma_wait3A_233 = arith.constant 0 : i32
    %dma_wait3A_234 = arith.constant 0 : i32
    %dma_wait3A_235 = tpu.memref_slice %arg6[%dma_wait3A_232, %dma_wait3A_233, %dma_wait3A_234] : memref<4x128x128xf32, #tpu.memory_space<vmem>> -> memref<1x128x128xf32, #tpu.memory_space<vmem>>
    %dma_wait3A_236 = tpu.memref_squeeze %dma_wait3A_235 : memref<1x128x128xf32, #tpu.memory_space<vmem>> -> memref<128x128xf32, #tpu.memory_space<vmem>>
    %dma_wait3A_237 = arith.constant 0 : i32
    %dma_wait3A_238 = arith.constant 0 : i32
    %dma_wait3A_239 = tpu.memref_slice %arg4[%add3A_163, %dma_wait3A_237, %dma_wait3A_238] : memref<128x128x128xf32, #tpu.memory_space<hbm>> -> memref<1x128x128xf32, #tpu.memory_space<hbm>>
    %dma_wait3A_240 = tpu.memref_squeeze %dma_wait3A_239 : memref<1x128x128xf32, #tpu.memory_space<hbm>> -> memref<128x128xf32, #tpu.memory_space<hbm>>
    %dma_wait3A_241 = arith.constant 0 : i32
    %dma_wait3A_242 = arith.constant 0 : i32
    %dma_wait3A_243 = tpu.memref_slice %arg4[%add3A_163, %dma_wait3A_241, %dma_wait3A_242] : memref<128x128x128xf32, #tpu.memory_space<hbm>> -> memref<1x128x128xf32, #tpu.memory_space<hbm>>
    %dma_wait3A_244 = tpu.memref_squeeze %dma_wait3A_243 : memref<1x128x128xf32, #tpu.memory_space<hbm>> -> memref<128x128xf32, #tpu.memory_space<hbm>>
    %dma_wait3A_245 = arith.constant 0 : i32
    %dma_wait3A_246 = arith.constant 0 : i32
    %dma_wait3A_247 = tpu.memref_slice %arg6[%dma_wait3A_232, %dma_wait3A_245, %dma_wait3A_246] : memref<4x128x128xf32, #tpu.memory_space<vmem>> -> memref<1x128x128xf32, #tpu.memory_space<vmem>>
    %dma_wait3A_248 = tpu.memref_squeeze %dma_wait3A_247 : memref<1x128x128xf32, #tpu.memory_space<vmem>> -> memref<128x128xf32, #tpu.memory_space<vmem>>
    tpu.wait_dma2 semaphore(%arg8 : memref<!tpu.dma_semaphore, #tpu.memory_space<semaphore_mem>>) src(%dma_wait3A_248 : memref<128x128xf32, #tpu.memory_space<vmem>>) dst(%dma_wait3A_244 : memref<128x128xf32, #tpu.memory_space<hbm>>)
    return
  }
}

module attributes {stable_mosaic.version = 14 : i64} {
  func.func @_expand_manual_body(%arg0: i32, %arg1: memref<256x128xf32, #tpu.memory_space<vmem>>, %arg2: memref<64x128xf32, #tpu.memory_space<vmem>>, %arg3: memref<16384x64x128xf32, #tpu.memory_space<any>>, %arg4: memref<4x256x64x128xf32, #tpu.memory_space<vmem>>, %arg5: memref<4x!tpu.dma_semaphore, #tpu.memory_space<semaphore_mem>>) attributes {dimension_semantics = [#tpu.dimension_semantics<arbitrary>], iteration_bounds = array<i64: 64>, scalar_prefetch = 0 : i64, scratch_operands = 2 : i64, tpu.core_type = #tpu.core_type<tc>, window_params = [{transform_indices = @transform_0, window_bounds = array<i64: 256, 128>}, {pipeline_mode = #tpu.pipeline_mode<synchronous>, transform_indices = @transform_1, window_bounds = array<i64: 64, 128>}, {}]} {
    %rem3A = arith.constant 4 : i32
    %rem3A_0 = arith.remsi %arg0, %rem3A : i32
    %ge3A = arith.constant 4 : i32
    %ge3A_1 = arith.cmpi sge, %arg0, %ge3A : i32
    %convert_element_type3A = arith.extui %ge3A_1 : i1 to i32
    %cond3A = arith.constant 0 : i32
    %cond3A_2 = arith.cmpi ne, %convert_element_type3A, %cond3A : i32
    scf.if %cond3A_2 {
      %sub3A = arith.constant 4 : i32
      %sub3A_32 = arith.subi %arg0, %sub3A : i32
      %rem3A_33 = arith.constant 4 : i32
      %rem3A_34 = arith.remsi %sub3A_32, %rem3A_33 : i32
      %mul3A_35 = arith.constant 256 : i32
      %mul3A_36 = arith.muli %sub3A_32, %mul3A_35 : i32
      %dma_wait3A = tpu.memref_slice %arg5[%rem3A_34] : memref<4x!tpu.dma_semaphore, #tpu.memory_space<semaphore_mem>> -> memref<1x!tpu.dma_semaphore, #tpu.memory_space<semaphore_mem>>
      %dma_wait3A_37 = tpu.memref_squeeze %dma_wait3A : memref<1x!tpu.dma_semaphore, #tpu.memory_space<semaphore_mem>> -> memref<!tpu.dma_semaphore, #tpu.memory_space<semaphore_mem>>
      %dma_wait3A_38 = arith.constant 0 : i32
      %dma_wait3A_39 = arith.constant 0 : i32
      %dma_wait3A_40 = tpu.memref_slice %arg3[%mul3A_36, %dma_wait3A_38, %dma_wait3A_39] : memref<16384x64x128xf32, #tpu.memory_space<any>> -> memref<256x64x128xf32, #tpu.memory_space<any>>
      %dma_wait3A_41 = arith.constant 0 : i32
      %dma_wait3A_42 = arith.constant 0 : i32
      %dma_wait3A_43 = arith.constant 0 : i32
      %dma_wait3A_44 = tpu.memref_slice %arg4[%rem3A_34, %dma_wait3A_41, %dma_wait3A_42, %dma_wait3A_43] : memref<4x256x64x128xf32, #tpu.memory_space<vmem>> -> memref<1x256x64x128xf32, #tpu.memory_space<vmem>>
      %dma_wait3A_45 = tpu.memref_squeeze %dma_wait3A_44 : memref<1x256x64x128xf32, #tpu.memory_space<vmem>> -> memref<256x64x128xf32, #tpu.memory_space<vmem>>
      tpu.wait_dma2 semaphore(%dma_wait3A_37 : memref<!tpu.dma_semaphore, #tpu.memory_space<semaphore_mem>>) src(%dma_wait3A_45 : memref<256x64x128xf32, #tpu.memory_space<vmem>>) dst(%dma_wait3A_40 : memref<256x64x128xf32, #tpu.memory_space<any>>)
    } else {
    }
    %get3A = arith.constant 0 : index
    %get3A_3 = arith.constant 0 : index
    %get3A_4 = vector.load %arg2[%get3A, %get3A_3] : memref<64x128xf32, #tpu.memory_space<vmem>>, vector<64x128xf32>
    %get3A_5 = arith.constant 0 : index
    %get3A_6 = arith.constant 0 : index
    %get3A_7 = vector.load %arg1[%get3A_5, %get3A_6] : memref<256x128xf32, #tpu.memory_space<vmem>>, vector<256x64xf32>
    %broadcast_in_dim3A = vector.shape_cast %get3A_7 : vector<256x64xf32> to vector<256x64x1xf32>
    %broadcast_in_dim3A_8 = vector.shape_cast %get3A_4 : vector<64x128xf32> to vector<1x64x128xf32>
    %mul3A = vector.broadcast %broadcast_in_dim3A : vector<256x64x1xf32> to vector<256x64x128xf32>
    %mul3A_9 = vector.broadcast %broadcast_in_dim3A_8 : vector<1x64x128xf32> to vector<256x64x128xf32>
    %mul3A_10 = arith.mulf %mul3A, %mul3A_9 : vector<256x64x128xf32>
    %swap3A = arith.index_cast %rem3A_0 : i32 to index
    %swap3A_11 = arith.constant 0 : index
    %swap3A_12 = arith.constant 0 : index
    %swap3A_13 = arith.constant 0 : index
    %swap3A_14 = vector.load %arg4[%swap3A, %swap3A_11, %swap3A_12, %swap3A_13] : memref<4x256x64x128xf32, #tpu.memory_space<vmem>>, vector<1x256x64x128xf32>
    %swap3A_15 = vector.shape_cast %swap3A_14 : vector<1x256x64x128xf32> to vector<256x64x128xf32>
    %swap3A_16 = vector.shape_cast %mul3A_10 : vector<256x64x128xf32> to vector<1x256x64x128xf32>
    tpu.vector_store %arg4[%swap3A, %swap3A_11, %swap3A_12, %swap3A_13], %swap3A_16 {strides = array<i32>} : memref<4x256x64x128xf32, #tpu.memory_space<vmem>>, vector<1x256x64x128xf32>,
    %mul3A_17 = arith.constant 256 : i32
    %mul3A_18 = arith.muli %arg0, %mul3A_17 : i32
    %dma_start3A = tpu.memref_slice %arg5[%rem3A_0] : memref<4x!tpu.dma_semaphore, #tpu.memory_space<semaphore_mem>> -> memref<1x!tpu.dma_semaphore, #tpu.memory_space<semaphore_mem>>
    %dma_start3A_19 = tpu.memref_squeeze %dma_start3A : memref<1x!tpu.dma_semaphore, #tpu.memory_space<semaphore_mem>> -> memref<!tpu.dma_semaphore, #tpu.memory_space<semaphore_mem>>
    %dma_start3A_20 = arith.constant 0 : i32
    %dma_start3A_21 = arith.constant 0 : i32
    %dma_start3A_22 = tpu.memref_slice %arg3[%mul3A_18, %dma_start3A_20, %dma_start3A_21] : memref<16384x64x128xf32, #tpu.memory_space<any>> -> memref<256x64x128xf32, #tpu.memory_space<any>>
    %dma_start3A_23 = arith.constant 0 : i32
    %dma_start3A_24 = arith.constant 0 : i32
    %dma_start3A_25 = arith.constant 0 : i32
    %dma_start3A_26 = tpu.memref_slice %arg4[%rem3A_0, %dma_start3A_23, %dma_start3A_24, %dma_start3A_25] : memref<4x256x64x128xf32, #tpu.memory_space<vmem>> -> memref<1x256x64x128xf32, #tpu.memory_space<vmem>>
    %dma_start3A_27 = tpu.memref_squeeze %dma_start3A_26 : memref<1x256x64x128xf32, #tpu.memory_space<vmem>> -> memref<256x64x128xf32, #tpu.memory_space<vmem>>
    tpu.enqueue_dma source(%dma_start3A_27 : memref<256x64x128xf32, #tpu.memory_space<vmem>>) target(%dma_start3A_22 : memref<256x64x128xf32, #tpu.memory_space<any>>) target_semaphore(%dma_start3A_19 : memref<!tpu.dma_semaphore, #tpu.memory_space<semaphore_mem>>)
    %eq3A = arith.constant 63 : i32
    %eq3A_28 = arith.cmpi eq, %arg0, %eq3A : i32
    %convert_element_type3A_29 = arith.extui %eq3A_28 : i1 to i32
    %cond3A_30 = arith.constant 0 : i32
    %cond3A_31 = arith.cmpi ne, %convert_element_type3A_29, %cond3A_30 : i32
    scf.if %cond3A_31 {
      %rem3A_32 = arith.constant 60 : i32
      %rem3A_33 = arith.constant 4 : i32
      %rem3A_34 = arith.remsi %rem3A_32, %rem3A_33 : i32
      %dma_wait3A = tpu.memref_slice %arg5[%rem3A_34] : memref<4x!tpu.dma_semaphore, #tpu.memory_space<semaphore_mem>> -> memref<1x!tpu.dma_semaphore, #tpu.memory_space<semaphore_mem>>
      %dma_wait3A_35 = tpu.memref_squeeze %dma_wait3A : memref<1x!tpu.dma_semaphore, #tpu.memory_space<semaphore_mem>> -> memref<!tpu.dma_semaphore, #tpu.memory_space<semaphore_mem>>
      %dma_wait3A_36 = arith.constant 15360 : i32
      %dma_wait3A_37 = arith.constant 0 : i32
      %dma_wait3A_38 = arith.constant 0 : i32
      %dma_wait3A_39 = tpu.memref_slice %arg3[%dma_wait3A_36, %dma_wait3A_37, %dma_wait3A_38] : memref<16384x64x128xf32, #tpu.memory_space<any>> -> memref<256x64x128xf32, #tpu.memory_space<any>>
      %dma_wait3A_40 = arith.constant 0 : i32
      %dma_wait3A_41 = arith.constant 0 : i32
      %dma_wait3A_42 = arith.constant 0 : i32
      %dma_wait3A_43 = tpu.memref_slice %arg4[%rem3A_34, %dma_wait3A_40, %dma_wait3A_41, %dma_wait3A_42] : memref<4x256x64x128xf32, #tpu.memory_space<vmem>> -> memref<1x256x64x128xf32, #tpu.memory_space<vmem>>
      %dma_wait3A_44 = tpu.memref_squeeze %dma_wait3A_43 : memref<1x256x64x128xf32, #tpu.memory_space<vmem>> -> memref<256x64x128xf32, #tpu.memory_space<vmem>>
      tpu.wait_dma2 semaphore(%dma_wait3A_35 : memref<!tpu.dma_semaphore, #tpu.memory_space<semaphore_mem>>) src(%dma_wait3A_44 : memref<256x64x128xf32, #tpu.memory_space<vmem>>) dst(%dma_wait3A_39 : memref<256x64x128xf32, #tpu.memory_space<any>>)
      %rem3A_45 = arith.constant 61 : i32
      %rem3A_46 = arith.constant 4 : i32
      %rem3A_47 = arith.remsi %rem3A_45, %rem3A_46 : i32
      %dma_wait3A_48 = tpu.memref_slice %arg5[%rem3A_47] : memref<4x!tpu.dma_semaphore, #tpu.memory_space<semaphore_mem>> -> memref<1x!tpu.dma_semaphore, #tpu.memory_space<semaphore_mem>>
      %dma_wait3A_49 = tpu.memref_squeeze %dma_wait3A_48 : memref<1x!tpu.dma_semaphore, #tpu.memory_space<semaphore_mem>> -> memref<!tpu.dma_semaphore, #tpu.memory_space<semaphore_mem>>
      %dma_wait3A_50 = arith.constant 15616 : i32
      %dma_wait3A_51 = arith.constant 0 : i32
      %dma_wait3A_52 = arith.constant 0 : i32
      %dma_wait3A_53 = tpu.memref_slice %arg3[%dma_wait3A_50, %dma_wait3A_51, %dma_wait3A_52] : memref<16384x64x128xf32, #tpu.memory_space<any>> -> memref<256x64x128xf32, #tpu.memory_space<any>>
      %dma_wait3A_54 = arith.constant 0 : i32
      %dma_wait3A_55 = arith.constant 0 : i32
      %dma_wait3A_56 = arith.constant 0 : i32
      %dma_wait3A_57 = tpu.memref_slice %arg4[%rem3A_47, %dma_wait3A_54, %dma_wait3A_55, %dma_wait3A_56] : memref<4x256x64x128xf32, #tpu.memory_space<vmem>> -> memref<1x256x64x128xf32, #tpu.memory_space<vmem>>
      %dma_wait3A_58 = tpu.memref_squeeze %dma_wait3A_57 : memref<1x256x64x128xf32, #tpu.memory_space<vmem>> -> memref<256x64x128xf32, #tpu.memory_space<vmem>>
      tpu.wait_dma2 semaphore(%dma_wait3A_49 : memref<!tpu.dma_semaphore, #tpu.memory_space<semaphore_mem>>) src(%dma_wait3A_58 : memref<256x64x128xf32, #tpu.memory_space<vmem>>) dst(%dma_wait3A_53 : memref<256x64x128xf32, #tpu.memory_space<any>>)
      %rem3A_59 = arith.constant 62 : i32
      %rem3A_60 = arith.constant 4 : i32
      %rem3A_61 = arith.remsi %rem3A_59, %rem3A_60 : i32
      %dma_wait3A_62 = tpu.memref_slice %arg5[%rem3A_61] : memref<4x!tpu.dma_semaphore, #tpu.memory_space<semaphore_mem>> -> memref<1x!tpu.dma_semaphore, #tpu.memory_space<semaphore_mem>>
      %dma_wait3A_63 = tpu.memref_squeeze %dma_wait3A_62 : memref<1x!tpu.dma_semaphore, #tpu.memory_space<semaphore_mem>> -> memref<!tpu.dma_semaphore, #tpu.memory_space<semaphore_mem>>
      %dma_wait3A_64 = arith.constant 15872 : i32
      %dma_wait3A_65 = arith.constant 0 : i32
      %dma_wait3A_66 = arith.constant 0 : i32
      %dma_wait3A_67 = tpu.memref_slice %arg3[%dma_wait3A_64, %dma_wait3A_65, %dma_wait3A_66] : memref<16384x64x128xf32, #tpu.memory_space<any>> -> memref<256x64x128xf32, #tpu.memory_space<any>>
      %dma_wait3A_68 = arith.constant 0 : i32
      %dma_wait3A_69 = arith.constant 0 : i32
      %dma_wait3A_70 = arith.constant 0 : i32
      %dma_wait3A_71 = tpu.memref_slice %arg4[%rem3A_61, %dma_wait3A_68, %dma_wait3A_69, %dma_wait3A_70] : memref<4x256x64x128xf32, #tpu.memory_space<vmem>> -> memref<1x256x64x128xf32, #tpu.memory_space<vmem>>
      %dma_wait3A_72 = tpu.memref_squeeze %dma_wait3A_71 : memref<1x256x64x128xf32, #tpu.memory_space<vmem>> -> memref<256x64x128xf32, #tpu.memory_space<vmem>>
      tpu.wait_dma2 semaphore(%dma_wait3A_63 : memref<!tpu.dma_semaphore, #tpu.memory_space<semaphore_mem>>) src(%dma_wait3A_72 : memref<256x64x128xf32, #tpu.memory_space<vmem>>) dst(%dma_wait3A_67 : memref<256x64x128xf32, #tpu.memory_space<any>>)
      %rem3A_73 = arith.constant 63 : i32
      %rem3A_74 = arith.constant 4 : i32
      %rem3A_75 = arith.remsi %rem3A_73, %rem3A_74 : i32
      %dma_wait3A_76 = tpu.memref_slice %arg5[%rem3A_75] : memref<4x!tpu.dma_semaphore, #tpu.memory_space<semaphore_mem>> -> memref<1x!tpu.dma_semaphore, #tpu.memory_space<semaphore_mem>>
      %dma_wait3A_77 = tpu.memref_squeeze %dma_wait3A_76 : memref<1x!tpu.dma_semaphore, #tpu.memory_space<semaphore_mem>> -> memref<!tpu.dma_semaphore, #tpu.memory_space<semaphore_mem>>
      %dma_wait3A_78 = arith.constant 16128 : i32
      %dma_wait3A_79 = arith.constant 0 : i32
      %dma_wait3A_80 = arith.constant 0 : i32
      %dma_wait3A_81 = tpu.memref_slice %arg3[%dma_wait3A_78, %dma_wait3A_79, %dma_wait3A_80] : memref<16384x64x128xf32, #tpu.memory_space<any>> -> memref<256x64x128xf32, #tpu.memory_space<any>>
      %dma_wait3A_82 = arith.constant 0 : i32
      %dma_wait3A_83 = arith.constant 0 : i32
      %dma_wait3A_84 = arith.constant 0 : i32
      %dma_wait3A_85 = tpu.memref_slice %arg4[%rem3A_75, %dma_wait3A_82, %dma_wait3A_83, %dma_wait3A_84] : memref<4x256x64x128xf32, #tpu.memory_space<vmem>> -> memref<1x256x64x128xf32, #tpu.memory_space<vmem>>
      %dma_wait3A_86 = tpu.memref_squeeze %dma_wait3A_85 : memref<1x256x64x128xf32, #tpu.memory_space<vmem>> -> memref<256x64x128xf32, #tpu.memory_space<vmem>>
      tpu.wait_dma2 semaphore(%dma_wait3A_77 : memref<!tpu.dma_semaphore, #tpu.memory_space<semaphore_mem>>) src(%dma_wait3A_86 : memref<256x64x128xf32, #tpu.memory_space<vmem>>) dst(%dma_wait3A_81 : memref<256x64x128xf32, #tpu.memory_space<any>>)
    } else {
    }
    return
  }
  func.func @transform_0(%arg0: i32) -> (i32, i32) {
    %c0_i32 = arith.constant 0 : i32
    %c0_i32_0 = arith.constant 0 : i32
    return %arg0, %c0_i32 : i32, i32
  }
  func.func @transform_1(%arg0: i32) -> (i32, i32) {
    %c0_i32 = arith.constant 0 : i32
    %c0_i32_0 = arith.constant 0 : i32
    %c0_i32_1 = arith.constant 0 : i32
    return %c0_i32, %c0_i32_0 : i32, i32
  }
}

</mosaic_0001>

<sc_bundles>
// kernel: kernel.4.cloned.1.call-start
scs
__scs_entry_jumppad:
0x0: {  	(pc) =	sbr.rel $0x88, $3  }
0x1: {  	(tag) =	ssettag $0x0;
	lr =	simm.s32 $0x1  }
0x2: {  	[smem:$0x3F9E] =	sst lr;
	_ =	strace $0xD0000000  }
0x3: {  	_ = 	snop  }
0x4: {  	_ = 	snop  }
0x5: {  	_ = 	snop  }
0x6: {  	_ = 	snop  }
0x7: {  	_ = 	snop  }
__scs_overlays_trampoline_lowered:
0x8: {  	[smem:$0x3FAD] =	sst s0  }
0x9: {  	[smem:$0x3FAE] =	sst s1  }
0xa: {  	[smem:$0x3FAF] =	sst s2  }
0xb: {  	[smem:$0x3FB0] =	sst s3  }
0xc: {  	[smem:$0x3FB1] =	sst s4  }
0xd: {  	[smem:$0x3FB2] =	sst s5  }
0xe: {  	[smem:$0x3FB3] =	sst s6  }
0xf: {  	[smem:$0x3FB4] =	sst s7  }
0x10: {  	[smem:$0x3FB5] =	sst s8  }
0x11: {  	[smem:$0x3FB6] =	sst s9;
	s0 =	simm.s32 @!p0 $0x0  }
0x12: {  	s1 =	sld [smem:$0x3F9C];
	s0 =	simm.s32 @p0 $0x1  }
0x13: {  	[smem:$0x3FB7] =	sst s0;
	s0 =	simm.s32 @!p1 $0x0  }
0x14: {  	s2 =	sld [smem:$0x3F9B];
	s0 =	simm.s32 @p1 $0x1  }
0x15: {  	[smem:$0x3FB8] =	sst s0;
	s0 =	simm.s32 @!p2 $0x0  }
0x16: {  	s3 =	sld [smem:$0x3FDB];
	s0 =	simm.s32 @p2 $0x1  }
0x17: {  	s4 =	simm.s32 $0x1BF5;
	[smem:$0x3FBA] =	sst s0  }
0x18: {  	s0 =	sld [smem:$0x3F9D];
	_ =	swait.ge [sflag:s4], $0x0  }
0x19: {  	s7 =	sld [smem:$0x3F9E]  }
0x1a: {  	s8 =	sadd.s32 $0xFFFFE003, lr  }
0x1b: {  	s9 =	sadd.s32 $0xFFFFFEF7, lr;
	s5 =	simm.s32 $0xFFFFFFFF;
	p2 =	slt.u32 s8, $0xFFFFF086  }
0x1c: {  	p1 =	slt.u32 s9, $0xF7A;
	s5 =	simm.s32 @!p2 $0x0  }
0x1d: {  	s5 =	simm.s32 @p1 $0x1;
	p0 =	seq.s32 s7, s2  }
0x1e: {  	s7 =	smul.u32 @!p0 $0xF7A, s2;
	p2 =	seq.s32 @!p0 s5, $0x0  }
0x1f: {  	s9 =	smul.u32 $0xF7A, s1;
	s8 =	simm.s32 @!p0 $0x1BF5;
	p2 =	por !p2, p0  }
0x20: {  	[sflag:s8] =	ssyncset.s32 @!p0 $0xFFFFF086;
	s6 =	sadd.s32 @!p0 s3, s7;
	s7 =	simm.s32 @!p0 $0x108  }
0x21: {  	s3 =	sadd.s32 s3, s9;
	s6 =	sadd.s32 @!p0 $0x88, s6;
	s7 =	simm.s32 @p2 $0x1082  }
0x22: {  	[simem:s7], [sflag:s8] =	dma.local @!p0 [hbm:s6], $0xF7A  }
0x23: {  	s9 =	sor.u32 $0xD0000000, s2;
	s6 =	simm.s32 $0x108;
	_ =	swait.ge @!p0 [sflag:s8], $0x0  }
0x24: {  	s3 =	sadd.s32 $0x88, s3;
	s6 =	simm.s32 @!p1 $0x1082;
	[sflag:s4] =	ssyncset.s32 $0xFFFFF086  }
0x25: {  	[simem:s6], [sflag:s4] =	dma.local [hbm:s3], $0xF7A  }
0x26: {  	[smem:$0x3F9E] =	sst s1;
	(tag) =	ssettag s2;
	_ =	strace s9  }
0x27: {  	s1 =	sld [smem:$0x3FAE]  }
0x28: {  	s2 =	sld [smem:$0x3FAF]  }
0x29: {  	s4 =	sld [smem:$0x3FB1]  }
0x2a: {  	p0 =	seq.s32 s5, $0x0;
	s5 =	sld [smem:$0x3FB2]  }
0x2b: {  	s6 =	sld [smem:$0x3FB3]  }
0x2c: {  	s7 =	sld [smem:$0x3FB4]  }
0x2d: {  	s3 =	simm.s32 $0x108;
	s8 =	sld [smem:$0x3FB5]  }
0x2e: {  	s3 =	simm.s32 @!p0 $0x1082;
	s9 =	sld [smem:$0x3FB6]  }
0x2f: {  	lr =	sadd.s32 s0, s3;
	s0 =	sld [smem:$0x3FAD]  }
0x30: {  	s3 =	sld [smem:$0x3FB0]  }
0x31: {  	[smem:$0x3FB9] =	sst s10  }
0x32: {  	s10 =	sld [smem:$0x3FB7];
	_ =	sdelay $0x3  }
0x33: {  	p0 =	seq.s32 s10, $0x1;
	s10 =	sld [smem:$0x3FB9];
	_ =	sdelay $0x3  }
0x34: {  	[smem:$0x3FB9] =	sst s10  }
0x35: {  	s10 =	sld [smem:$0x3FB8];
	_ =	sdelay $0x3  }
0x36: {  	p1 =	seq.s32 s10, $0x1;
	s10 =	sld [smem:$0x3FB9];
	_ =	sdelay $0x3  }
0x37: {  	[smem:$0x3FB9] =	sst s10  }
0x38: {  	s10 =	sld [smem:$0x3FBA]  }
0x39: {  	_ = 	snop;
	(pc) =	sbr.ind lr, $3  }
0x3a: {  	_ = 	snop  }
0x3b: {  	_ = 	snop  }
0x3c: {  	p2 =	seq.s32 s10, $0x1;
	s10 =	sld [smem:$0x3FB9]  }
0x3d: {  	_ =	shalt  }
0x3e: {  	_ =	shalt  }
0x3f: {  	_ =	shalt  }
0x40: {  	_ =	shalt  }
0x41: {  	_ =	shalt  }
0x42: {  	_ =	shalt  }
0x43: {  	_ =	shalt  }
0x44: {  	_ =	shalt  }
0x45: {  	_ =	shalt  }
0x46: {  	_ =	shalt  }
0x47: {  	_ =	shalt  }
0x48: {  	_ =	shalt  }
0x49: {  	_ =	shalt  }
0x4a: {  	_ =	shalt  }
0x4b: {  	_ =	shalt  }
0x4c: {  	_ =	shalt  }
0x4d: {  	_ =	shalt  }
0x4e: {  	_ =	shalt  }
0x4f: {  	_ =	shalt  }
0x50: {  	_ =	shalt  }
0x51: {  	_ =	shalt  }
0x52: {  	_ =	shalt  }
0x53: {  	_ =	shalt  }
0x54: {  	_ =	shalt  }
0x55: {  	_ =	shalt  }
0x56: {  	_ =	shalt  }
0x57: {  	_ =	shalt  }
0x58: {  	_ =	shalt  }
0x59: {  	_ =	shalt  }
0x5a: {  	_ =	shalt  }
0x5b: {  	_ =	shalt  }
0x5c: {  	_ =	shalt  }
0x5d: {  	_ =	shalt  }
0x5e: {  	_ =	shalt  }
0x5f: {  	_ =	shalt  }
0x60: {  	_ =	shalt  }
0x61: {  	_ =	shalt  }
0x62: {  	_ =	shalt  }
0x63: {  	_ =	shalt  }
0x64: {  	_ =	shalt  }
0x65: {  	_ =	shalt  }
0x66: {  	_ =	shalt  }
0x67: {  	_ =	shalt  }
0x68: {  	_ =	shalt  }
0x69: {  	_ =	shalt  }
0x6a: {  	_ =	shalt  }
0x6b: {  	_ =	shalt  }
0x6c: {  	_ =	shalt  }
0x6d: {  	_ =	shalt  }
0x6e: {  	_ =	shalt  }
0x6f: {  	_ =	shalt  }
0x70: {  	_ =	shalt  }
0x71: {  	_ =	shalt  }
0x72: {  	_ =	shalt  }
0x73: {  	_ =	shalt  }
0x74: {  	_ =	shalt  }
0x75: {  	_ =	shalt  }
0x76: {  	_ =	shalt  }
0x77: {  	_ =	shalt  }
0x78: {  	_ =	shalt  }
0x79: {  	_ =	shalt  }
0x7a: {  	_ =	shalt  }
0x7b: {  	_ =	shalt  }
0x7c: {  	_ =	shalt  }
0x7d: {  	_ =	shalt  }
0x7e: {  	_ =	shalt  }
0x7f: {  	_ =	shalt  }
0x80: {  	_ =	shalt  }
0x81: {  	_ =	shalt  }
0x82: {  	_ =	shalt  }
0x83: {  	_ =	shalt  }
0x84: {  	_ =	shalt  }
0x85: {  	_ =	shalt  }
0x86: {  	_ =	shalt  }
0x87: {  	_ =	shalt  }
.Lfunc_end0:
.L_simem_size_0:
called_computation_lowered:
.L_overlay_start_0:
0x88: {  	s2 =	sld [smem:$0x3FD9]  }
0x89: {  	s3 =	sld [smem:$0x3FFE];
	_ =	sdelay $0x1  }
0x8a: {  	s1 =	srdreg.scid  }
0x8b: {  	s0 =	sand.u32 $0x1, s1  }
0x8c: {  	s17 =	sshll.u32 s0, $0xA;
	s2 =	sadd.s32 s3, s2  }
0x8d: {  	s2 =	sadd.s32 s2, s17  }
0x8e: {  	[smem:$0x3FC5] =	sst s2  }
0x8f: {  	_ = 	snop  }
0x90: {  	s2 =	sld [smem:$0x3FC9];
	(tm) =	ssettm $0x1  }
0x91: {  	s18 =	sld [smem:$0x3FFB];
	_ =	sdelay $0x3  }
0x92: {  	_ =	strace s18  }
0x93: {  	s3 =	sld [smem:$0x3FFC];
	_ =	sdelay $0x3  }
0x94: {  	_ =	strace s3  }
0x95: {  	s3 =	sld [smem:$0x3FFD];
	_ =	sdelay $0x3  }
0x96: {  	_ =	strace s3  }
0x97: {  	_ =	strace $0x8FFFFFFF  }
0x98: {  	s19 =	sld [smem:$0x3FDB];
	_ =	sdelay $0x1  }
0x99: {  	s4 =	simm.s32 $_scs_section_size  }
0x9a: {  	s5 =	simm.s32 $_size__tile_overlayer_lowered;
	s6 =	simm.s32 $_tile_overlayer_lowered  }
0x9b: {  	s22 =	simm.s32 $0x1BFF;
	s21 =	sshll.u32 s6, $0x1;
	s3 =	sadd.s32 s4, s19  }
0x9c: {  	s7 =	simm.s32 $0x0;
	s20 =	sshll.u32 s5, $0x1;
	s5 =	sadd.s32 s21, s3  }
0x9d: {  	[timem:s7], [sflag:s22] =	dma.local [hbm:s5], s20  }
0x9e: {  	_ =	swait.ge [sflag:s22], s20  }
0x9f: {  	s4 =	ssub.s32 $0x0, s20;
	[sflag:s22] =	ssyncset.done $0x0  }
0xa0: {  	[sflag:s22] =	ssyncadd.s32 s4;
	_ =	sdelay $0x1  }
0xa1: {  	s23 =	simm.s32 $0x1B8B  }
0xa2: {  	_ =	swait.ge [sflag:s23], $0x1  }
0xa3: {  	[sflag:s23] =	ssyncset.done $0x0  }
0xa4: {  	s25 =	simm.s32 $0x1B8E;
	s24 =	sld [smem:$0x3FFE];
	[sflag:s23] =	ssyncadd.s32 $0xFFFFFFFF  }
0xa5: {  	s26 =	simm.s32 $execute0_lowered;
	[smem:$0x3FD2] =	sst s25  }
0xa6: {  	s5 =	sshll.u32 s26, $0x1;
	_ =	strace $0x80000046;
	[dreg:$0x1] =	wrdreg $0xFFFFFFFF  }
0xa7: {  	s28 =	simm.s32 $_size_execute0_lowered;
	s3 =	sadd.s32 s3, s5;
	[dreg:$0x0] =	wrdreg $0x0  }
0xa8: {  	s5 =	sshll.u32 s28, $0x1;
	[dreg:$0x2] =	wrdreg s3  }
0xa9: {  	[dreg:$0x3] =	wrdreg s5  }
0xaa: {  	[dreg:$0x4] =	wrdreg $0xC0  }
0xab: {  	_ =	task [dreg:s7], $0x5FFFF  }
0xac: {  	[dreg:$0x1] =	wrdreg $0xFFFFFFFF  }
0xad: {  	[dreg:$0x0] =	wrdreg $0x60  }
0xae: {  	[dreg:$0x2] =	wrdreg s24  }
0xaf: {  	[dreg:$0x3] =	wrdreg s2  }
0xb0: {  	[dreg:$0x4] =	wrdreg $0x9  }
0xb1: {  	_ =	task.clear_ibuf [dreg:s7], $0x5FFFF;
	_ =	strace $0x90000046  }
0xb2: {  	s29 =	simm.s32 $0x9;
	_ =	strace $0x80000048  }
0xb3: {  	_ =	swait.ge [sflag:s29], $0x1  }
0xb4: {  	[sflag:s29] =	ssyncadd.s32 $0xFFFFFFFF  }
0xb5: {  	_ =	strace $0x90000048  }
0xb6: {  	_ =	sfence  }
0xb7: {  	s30 =	sld [smem:$0x0];
	_ =	sdelay $0x2  }
0xb8: {  	s31 =	sshll.u32 s1, $0xD;
	s1 =	sshrl.u32 s1, $0x2  }
0xb9: {  	s3 =	sand.u32 $0x4000, s31;
	s1 =	sadd.s32 s1, s30  }
0xba: {  	s0 =	sor.u32 s3, s0;
	s1 =	sshll.u32 s1, $0x11  }
0xbb: {  	s0 =	sor.u32 s1, s0  }
0xbc: {  	s0 =	sadd.s32 $0x8F2B, s0  }
0xbd: {  	[sflag:s0] =	ssyncadd.remote.s32 $0x1  }
0xbe: {  	_ =	sfence.sel $0xFFFF  }
0xbf: {  	[dreg:$0x0] =	wrdreg $0xFFFFFFFF;
	(pc) =	sbr.abs _section_cstart, $3  }
0xc0: {  	[dreg:$0x1] =	wrdreg $0xFFFFFFFF  }
0xc1: {  	_ =	task.clear_ibuf [dreg:s7], $0x2FFFF;
	_ =	strace $0x9FFFFFFF  }
0xc2: {  	(tm) =	ssettm $0x7FFFFFFF  }
0xc3: {  	_ =	shalt  }
tec
execute0_lowered:
.L_overlay_start_1:
0x0: {  	(tag) =	ssettag $0x1  }
0x1: {  	s14 =	rddreg [dreg:$0x0]  }
0x2: {  	s3 =	rddreg [dreg:$0x1];
	s1 =	srdreg.scid  }
0x3: {  	s0 =	rddreg [dreg:$0x2];
	s19 =	sand.u32 $0x1, s1  }
0x4: {  	s2 =	simm.s32 $0x0;
	s1 =	stileid.u32;
	s4 =	sshll.u32 s19, $0x6  }
0x5: {  	[smem:$0x7FF] =	sst s2;
	s5 =	sshll.u32 s1, $0x7;
	s3 =	sadd.s32 s3, s4  }
0x6: {  	_ =	strace $0x80000047;
	s4 =	simm.s32 $0x3;
	s3 =	sadd.s32 s5, s3  }
0x7: {  	[tilespmem:s2], [sflag:$0x3] =	stream.linear.gather [hbm4b:s3+s2], $0x200, $0x38;
	[tilespmem:$0x10200] =	vst v63  }
0x8: {  	_ =	swait.ge [sflag:s4], $0x200  }
0x9: {  	s6 =	simm.s32 $0x80;
	[sflag:s4] =	ssyncset.done $0x0  }
0xa: {  	s7 =	simm.s32 $0x200;
	s5 =	sadd.s32 $0x400, s14;
	[sflag:s4] =	ssyncadd.s32 $0xFFFFFE00  }
0xb: {  	[tilespmem:s7], [sflag:$0x1] =	stream.indirect.gather [hbm4b:s5+s6], $0x80, s2, s6, $0xb8;
	[tilespmem:$0x10200] =	vst v63  }
0xc: {  	s8 =	simm.s32 $0x4200;
	s9 =	simm.s32 $0x100  }
0xd: {  	[tilespmem:s8], [sflag:$0x1] =	stream.indirect.gather [hbm4b:s5+s6], $0x80, s6, s6, $0xb8;
	[tilespmem:$0x10200] =	vst v63  }
0xe: {  	s10 =	simm.s32 $0x8200;
	s11 =	simm.s32 $0x180;
	s12 =	simm.s32 $0xC200  }
0xf: {  	[tilespmem:s10], [sflag:$0x1] =	stream.indirect.gather [hbm4b:s5+s6], $0x80, s9, s6, $0xb8;
	[tilespmem:$0x10200] =	vst v63  }
0x10: {  	s13 =	simm.s32 $0x1;
	s15 =	sshll.u32 s1, $0xE;
	s16 =	sshll.u32 s19, $0xD  }
0x11: {  	[tilespmem:s12], [sflag:$0x1] =	stream.indirect.gather [hbm4b:s5+s6], $0x80, s11, s6, $0xb8;
	[tilespmem:$0x10200] =	vst v63  }
0x12: {  	s15 =	sor.u32 s16, s15;
	_ =	swait.ge [sflag:s13], $0x4000  }
0x13: {  	s17 =	sadd.s32 s15, s14;
	[sflag:s13] =	ssyncset.done $0x0  }
0x14: {  	s14 =	sadd.s32 $0x187000, s17;
	[sflag:s13] =	ssyncadd.s32 $0xFFFFC000  }
0x15: {  	[hbm4b:s14+s2] =	stream.linear.scatter [tilespmem:s7], [sflag:$0x2], $0x4000, $0x38;
	[tilespmem:$0x10200] =	vst v63  }
0x16: {  	_ =	swait.ge [sflag:s13], $0x4000  }
0x17: {  	[sflag:s13] =	ssyncset.done $0x0  }
0x18: {  	s15 =	sadd.s32 $0x187800, s17;
	[sflag:s13] =	ssyncadd.s32 $0xFFFFC000  }
0x19: {  	[hbm4b:s15+s2] =	stream.linear.scatter [tilespmem:s8], [sflag:$0x2], $0x4000, $0x38;
	[tilespmem:$0x10200] =	vst v63  }
0x1a: {  	_ =	swait.ge [sflag:s13], $0x4000  }
0x1b: {  	[sflag:s13] =	ssyncset.done $0x0  }
0x1c: {  	s16 =	sadd.s32 $0x188000, s17;
	[sflag:s13] =	ssyncadd.s32 $0xFFFFC000  }
0x1d: {  	[hbm4b:s16+s2] =	stream.linear.scatter [tilespmem:s10], [sflag:$0x2], $0x4000, $0x38;
	[tilespmem:$0x10200] =	vst v63  }
0x1e: {  	_ =	swait.ge [sflag:s13], $0x4000  }
0x1f: {  	[sflag:s13] =	ssyncset.done $0x0  }
0x20: {  	s18 =	sadd.s32 $0x188800, s17;
	s17 =	simm.s32 $0x2;
	[sflag:s13] =	ssyncadd.s32 $0xFFFFC000  }
0x21: {  	[hbm4b:s18+s2] =	stream.linear.scatter [tilespmem:s12], [sflag:$0x2], $0x4000, $0x38;
	[tilespmem:$0x10200] =	vst v63  }
0x22: {  	_ =	swait.ge [sflag:s17], $0x4000  }
0x23: {  	s19 =	ssub.s32 $0x2, s19;
	[sflag:s17] =	ssyncset.done $0x0  }
0x24: {  	s20 =	sshrl.u32 s19, $0x1;
	[sflag:s17] =	ssyncadd.s32 $0xFFFFC000  }
0x25: {  	s19 =	ssub.s32 s19, s20;
	_ =	swait.ge [sflag:s17], $0x4000  }
0x26: {  	s19 =	smax.u32 s19, $0x1;
	[sflag:s17] =	ssyncset.done $0x0  }
0x27: {  	p0 =	sne.s32 s19, $0x1;
	[sflag:s17] =	ssyncadd.s32 $0xFFFFC000  }
.Ltmp0:
0x28: {  	_ =	swait.ge [sflag:s17], $0x4000;
	(pc) =	sbr.rel @!p0 .LBB2_2-.Ltmp0, $4  }
0x29: {  	[sflag:s17] =	ssyncset.done $0x0  }
0x2a: {  	[sflag:s17] =	ssyncadd.s32 $0xFFFFC000  }
0x2b: {  	_ =	swait.ge [sflag:s17], $0x4000  }
0x2c: {  	s19 =	sadd.s32 $0xFFFFFFFF, s19;
	[sflag:s17] =	ssyncset.done $0x0  }
.LBB2_1:
0x2d: {  	p0 =	sne.s32 s19, $0x1;
	s19 =	sadd.s32 $0xFFFFFFFF, s19;
	[sflag:s17] =	ssyncadd.s32 $0xFFFFC000  }
0x2e: {  	[tilespmem:s2], [sflag:$0x3] =	stream.linear.gather [hbm4b:s3+s2], $0x200, $0x38;
	[tilespmem:$0x10200] =	vst v63  }
0x2f: {  	_ =	swait.ge [sflag:s4], $0x200  }
0x30: {  	[sflag:s4] =	ssyncset.done $0x0  }
0x31: {  	[sflag:s4] =	ssyncadd.s32 $0xFFFFFE00  }
0x32: {  	[tilespmem:s7], [sflag:$0x1] =	stream.indirect.gather [hbm4b:s5+s6], $0x80, s2, s6, $0xb8;
	[tilespmem:$0x10200] =	vst v63  }
0x33: {  	_ = 	snop  }
0x34: {  	[tilespmem:s8], [sflag:$0x1] =	stream.indirect.gather [hbm4b:s5+s6], $0x80, s6, s6, $0xb8;
	[tilespmem:$0x10200] =	vst v63  }
0x35: {  	_ = 	snop  }
0x36: {  	[tilespmem:s10], [sflag:$0x1] =	stream.indirect.gather [hbm4b:s5+s6], $0x80, s9, s6, $0xb8;
	[tilespmem:$0x10200] =	vst v63  }
0x37: {  	_ = 	snop  }
0x38: {  	[tilespmem:s12], [sflag:$0x1] =	stream.indirect.gather [hbm4b:s5+s6], $0x80, s11, s6, $0xb8;
	[tilespmem:$0x10200] =	vst v63  }
0x39: {  	_ =	swait.ge [sflag:s13], $0x4000  }
0x3a: {  	[sflag:s13] =	ssyncset.done $0x0  }
0x3b: {  	[sflag:s13] =	ssyncadd.s32 $0xFFFFC000  }
0x3c: {  	[hbm4b:s14+s2] =	stream.linear.scatter [tilespmem:s7], [sflag:$0x2], $0x4000, $0x38;
	[tilespmem:$0x10200] =	vst v63  }
0x3d: {  	_ =	swait.ge [sflag:s13], $0x4000  }
0x3e: {  	[sflag:s13] =	ssyncset.done $0x0  }
0x3f: {  	[sflag:s13] =	ssyncadd.s32 $0xFFFFC000  }
0x40: {  	[hbm4b:s15+s2] =	stream.linear.scatter [tilespmem:s8], [sflag:$0x2], $0x4000, $0x38;
	[tilespmem:$0x10200] =	vst v63  }
0x41: {  	_ =	swait.ge [sflag:s13], $0x4000  }
0x42: {  	[sflag:s13] =	ssyncset.done $0x0  }
0x43: {  	[sflag:s13] =	ssyncadd.s32 $0xFFFFC000  }
0x44: {  	[hbm4b:s16+s2] =	stream.linear.scatter [tilespmem:s10], [sflag:$0x2], $0x4000, $0x38;
	[tilespmem:$0x10200] =	vst v63  }
0x45: {  	_ =	swait.ge [sflag:s13], $0x4000  }
0x46: {  	[sflag:s13] =	ssyncset.done $0x0  }
0x47: {  	[sflag:s13] =	ssyncadd.s32 $0xFFFFC000  }
0x48: {  	[hbm4b:s18+s2] =	stream.linear.scatter [tilespmem:s12], [sflag:$0x2], $0x4000, $0x38;
	[tilespmem:$0x10200] =	vst v63  }
0x49: {  	_ =	swait.ge [sflag:s17], $0x4000  }
0x4a: {  	[sflag:s17] =	ssyncset.done $0x0  }
0x4b: {  	[sflag:s17] =	ssyncadd.s32 $0xFFFFC000  }
0x4c: {  	_ =	swait.ge [sflag:s17], $0x4000  }
0x4d: {  	[sflag:s17] =	ssyncset.done $0x0  }
0x4e: {  	[sflag:s17] =	ssyncadd.s32 $0xFFFFC000  }
.Ltmp1:
0x4f: {  	_ =	swait.ge [sflag:s17], $0x4000;
	(pc) =	sbr.rel @p0 .LBB2_1-.Ltmp1, $4  }
0x50: {  	[sflag:s17] =	ssyncset.done $0x0  }
0x51: {  	[sflag:s17] =	ssyncadd.s32 $0xFFFFC000  }
0x52: {  	_ =	swait.ge [sflag:s17], $0x4000  }
0x53: {  	[sflag:s17] =	ssyncset.done $0x0  }
.LBB2_2:
0x54: {  	[sflag:s17] =	ssyncadd.s32 $0xFFFFC000  }
0x55: {  	_ =	sfence.sel $0x180000  }
0x56: {  	[bflag:$0x0] =	sbarrier.arrive $0xFFFF  }
0x57: {  	p0 =	sne.s32 s1, $0x0;
	_ =	strace $0x90000047  }
0x58: {  	s0 =	sadd.s32 @!p0 $0x100000, s0;
	[bflag:$0x2] =	sbarrier.arrive $0xFFFF  }
0x59: {  	[sflag:s0] =	ssyncadd.tile.s32 @!p0 $0x1;
	_ =	shalt  }
.Lfunc_end2:
_tile_overlayer_lowered:
.L_overlay_start_2:
0x5a: {  	(tag) =	ssettag $0x2  }
0x5b: {  	s0 =	rddreg [dreg:$0x0];
	s2 =	stileid.u32  }
0x5c: {  	s1 =	rddreg [dreg:$0x1];
	p0 =	sne.s32 s2, $0x0  }
0x5d: {  	s3 =	rddreg [dreg:$0x2];
	[bflag:$0x3] =	sbarrier.arrive $0xFFFF;
	s2 =	simm.s32 @!p0 $0x1C03  }
0x5e: {  	[timem:s3], [sflag:s2] =	dma.local @!p0 [hbm:s0], s1  }
0x5f: {  	s0 =	simm.s32 @!p0 $0x3  }
0x60: {  	_ =	swait.ge @!p0 [sflag:s0], s1  }
0x61: {  	s1 =	ssub.s32 @!p0 $0x0, s1;
	[sflag:s0] =	ssyncset.done @!p0 $0x0  }
0x62: {  	[sflag:s0] =	ssyncadd.s32 @!p0 s1  }
0x63: {  	[bflag:$0x3] =	sbarrier.arrive $0xFFFF  }
0x64: {  	_ =	shalt  }

</sc_bundles>
